<compile_context>
chip_gen: v7x
topology: tpu7x:2x2x1
jax: 0.10.2.dev20260603
libtpu: 0.0.44.dev20260713+nightly
codegen_flags: <defaults>
</compile_context>

<pallas_src>
import functools

import jax
import jax.numpy as jnp
from jax import lax
from jax.experimental import pallas as pl
from jax.experimental.pallas import tpu as pltpu
from jax.experimental.pallas import tpu_sc as plsc

D_IN = 768
D_LAT = 64
K = 128

T = 32 * 1024
BT = 2048
NB = T // BT

NB_SC = 1
T_SC = NB_SC * BT

NW = 32
TPW = T_SC // NW
CH = 64
NCH = TPW // CH


def _vq_head(x, encw, encb, cb):
    z = lax.dot_general(x, encw, (((1,), (1,)), ((), ())),
                        preferred_element_type=jnp.float32)
    z = z + encb
    dots = lax.dot_general(z, cb, (((1,), (1,)), ((), ())),
                           preferred_element_type=jnp.float32)
    z2 = jnp.sum(z * z, axis=-1, keepdims=True)
    e2 = jnp.sum(cb * cb, axis=-1)
    dist = z2 - 2.0 * dots + e2[None, :]
    mind = jnp.min(dist, axis=-1, keepdims=True)
    kiota = lax.broadcasted_iota(jnp.int32, dist.shape, 1)
    idx = jnp.min(jnp.where(dist == mind, kiota, K), axis=-1)
    onehot = (kiota == idx[:, None]).astype(jnp.float32)
    q = lax.dot_general(onehot, cb, (((1,), (0,)), ((), ())),
                        preferred_element_type=jnp.float32)
    diff = q - z
    return idx, onehot, jnp.sum(diff * diff)


def _tc_a_body(x_ref, encw_ref, encb_ref, cb_ref, decw_ref, decb_ref,
               idx_ref, loss_ref, deccb_ref):
    i = pl.program_id(0)
    idx, _, part = _vq_head(x_ref[...], encw_ref[...], encb_ref[...],
                            cb_ref[...])
    idx_ref[...] = idx

    @pl.when(i == 0)
    def _():
        loss_ref[...] = jnp.zeros((1, 1), jnp.float32)
        deccb = lax.dot_general(
            cb_ref[...], decw_ref[...], (((1,), (1,)), ((), ())),
            preferred_element_type=jnp.float32)
        deccb_ref[...] = deccb + decb_ref[...]

    loss_ref[...] += part[None, None]


def _tc_a(xf, enc_W, enc_b2, dec_W, dec_b2, codebook):
    return pl.pallas_call(
        _tc_a_body,
        grid=(NB_SC,),
        in_specs=[
            pl.BlockSpec((BT, D_IN), lambda i: (i, 0)),
            pl.BlockSpec((D_LAT, D_IN), lambda i: (0, 0)),
            pl.BlockSpec((1, D_LAT), lambda i: (0, 0)),
            pl.BlockSpec((K, D_LAT), lambda i: (0, 0)),
            pl.BlockSpec((D_IN, D_LAT), lambda i: (0, 0)),
            pl.BlockSpec((1, D_IN), lambda i: (0, 0)),
        ],
        out_specs=[
            pl.BlockSpec((BT,), lambda i: (i,)),
            pl.BlockSpec((1, 1), lambda i: (0, 0)),
            pl.BlockSpec((K, D_IN), lambda i: (0, 0)),
        ],
        out_shape=[
            jax.ShapeDtypeStruct((T_SC,), jnp.int32),
            jax.ShapeDtypeStruct((1, 1), jnp.float32),
            jax.ShapeDtypeStruct((K, D_IN), jnp.float32),
        ],
    )(xf, enc_W, enc_b2, codebook, dec_W, dec_b2)


def _tc_b_body(x_ref, encw_ref, encb_ref, cb_ref, deccb_ref, alias_ref,
               idx_ref, loss_ref, out_ref):
    i = pl.program_id(0)
    idx, onehot, part = _vq_head(x_ref[...], encw_ref[...], encb_ref[...],
                                 cb_ref[...])
    idx_ref[...] = idx
    out_ref[...] = lax.dot_general(
        onehot, deccb_ref[...], (((1,), (0,)), ((), ())),
        preferred_element_type=jnp.float32)

    @pl.when(i == 0)
    def _():
        loss_ref[...] = jnp.zeros((1, 1), jnp.float32)

    loss_ref[...] += part[None, None]


def _tc_b(xf, enc_W, enc_b2, codebook, dec_cb, out_sc):
    return pl.pallas_call(
        _tc_b_body,
        grid=(NB - NB_SC,),
        in_specs=[
            pl.BlockSpec((BT, D_IN), lambda i: (i + NB_SC, 0)),
            pl.BlockSpec((D_LAT, D_IN), lambda i: (0, 0)),
            pl.BlockSpec((1, D_LAT), lambda i: (0, 0)),
            pl.BlockSpec((K, D_LAT), lambda i: (0, 0)),
            pl.BlockSpec((K, D_IN), lambda i: (0, 0)),
            pl.BlockSpec(memory_space=pl.ANY),
        ],
        out_specs=[
            pl.BlockSpec((BT,), lambda i: (i,)),
            pl.BlockSpec((1, 1), lambda i: (0, 0)),
            pl.BlockSpec((BT, D_IN), lambda i: (i + NB_SC, 0)),
        ],
        out_shape=[
            jax.ShapeDtypeStruct((T - T_SC,), jnp.int32),
            jax.ShapeDtypeStruct((1, 1), jnp.float32),
            jax.ShapeDtypeStruct((T, D_IN), jnp.float32),
        ],
        input_output_aliases={5: 2},
    )(xf, enc_W, enc_b2, codebook, dec_cb, out_sc)


def _sc_gather(dec_cb, idx3):
    mesh = plsc.VectorSubcoreMesh(core_axis_name="c", subcore_axis_name="s")

    @functools.partial(
        pl.kernel,
        out_type=jax.ShapeDtypeStruct((T, D_IN), jnp.float32),
        mesh=mesh,
        scratch_types=(
            [pltpu.VMEM((NCH, CH), jnp.int32)]
            + [pltpu.VMEM((CH, D_IN), jnp.float32) for _ in range(2)]
            + [pltpu.SemaphoreType.DMA for _ in range(4)]
        ),
    )
    def body(deccb_hbm, idx_hbm, out_hbm, idx_v, buf0, buf1,
             gsem0, gsem1, psem0, psem1):
        wid = lax.axis_index("s") * 2 + lax.axis_index("c")
        pltpu.sync_copy(idx_hbm.at[wid], idx_v)
        base = wid * TPW
        bufs = (buf0, buf1)
        gsems = (gsem0, gsem1)
        psems = (psem0, psem1)
        gather = [None, None]
        put = [None, None]
        gather[0] = pltpu.async_copy(deccb_hbm.at[idx_v.at[0]], buf0, gsem0)
        for c in range(NCH):
            b = c & 1
            nb = 1 - b
            if c + 1 < NCH:
                if put[nb] is not None:
                    put[nb].wait()
                    put[nb] = None
                gather[nb] = pltpu.async_copy(
                    deccb_hbm.at[idx_v.at[c + 1]], bufs[nb], gsems[nb])
            gather[b].wait()
            put[b] = pltpu.async_copy(
                bufs[b], out_hbm.at[pl.ds(base + c * CH, CH)], psems[b])
        for b in (0, 1):
            if put[b] is not None:
                put[b].wait()

    return body(dec_cb, idx3)


def kernel(x, enc_W, enc_b, dec_W, dec_b, codebook):
    B, N, _ = x.shape
    xf = x.reshape(T, D_IN)
    enc_b2 = enc_b.reshape(1, D_LAT)
    dec_b2 = dec_b.reshape(1, D_IN)
    idx_a, loss_a, dec_cb = _tc_a(xf, enc_W, enc_b2, dec_W, dec_b2, codebook)
    idx3 = idx_a.reshape(NW, NCH, CH)
    out_sc = _sc_gather(dec_cb, idx3)
    idx_b, loss_b, out_flat = _tc_b(xf, enc_W, enc_b2, codebook, dec_cb,
                                    out_sc)
    out = out_flat.reshape(B, N, D_IN)
    indices = jnp.concatenate([idx_a, idx_b]).reshape(B, N)
    commit_loss = (loss_a[0, 0] + loss_b[0, 0]) / jnp.float32(T * D_LAT)
    return out, indices, commit_loss

# --- scband reference (transcript-rebuilt; emitter-appended) ---
"""Pipeline reference for scband-linear-vqvae-22539988370207 (READ-ONLY COPY).

The authoritative reference and input builder live on the scoring server;
editing this copy changes nothing except your own understanding.
"""

import jax, jax.numpy as jnp
import numpy as np

INPUT_DIM = 768
LATENT_DIM = 64
CODEBOOK_SIZE = 128
COMMITMENT_WEIGHT = 1.0


def _xavier(key, shape):
    fan_in, fan_out = shape[1], shape[0]
    limit = float(np.sqrt(6.0 / (fan_in + fan_out)))
    return jax.random.uniform(key, shape, dtype=jnp.float32, minval=-limit, maxval=limit)


def setup_inputs(seed: int = 0) -> dict:
    key = jax.random.key(seed)
    k_x, k_ew, k_eb, k_dw, k_db, k_cb = jax.random.split(key, 6)
    x = jax.random.normal(k_x, (32, 1024, INPUT_DIM), dtype=jnp.float32)
    enc_W = _xavier(k_ew, (LATENT_DIM, INPUT_DIM))
    enc_b = jnp.zeros((LATENT_DIM,), dtype=jnp.float32)
    dec_W = _xavier(k_dw, (INPUT_DIM, LATENT_DIM))
    dec_b = jnp.zeros((INPUT_DIM,), dtype=jnp.float32)
    codebook = jax.random.normal(k_cb, (CODEBOOK_SIZE, LATENT_DIM), dtype=jnp.float32)
    return {"x": x, "enc_W": enc_W, "enc_b": enc_b, "dec_W": dec_W, "dec_b": dec_b, "codebook": codebook}


def reference(x, enc_W, enc_b, dec_W, dec_b, codebook):
    # encoder: Linear(input_dim -> latent_dim)
    z = jnp.einsum('bnd,ld->bnl', x, enc_W) + enc_b
    # vector quantize: euclidean nearest codebook entry
    z2 = jnp.sum(z * z, axis=-1, keepdims=True)            # [B,N,1]
    e2 = jnp.sum(codebook * codebook, axis=-1)              # [K]
    dots = jnp.einsum('bnl,kl->bnk', z, codebook)           # [B,N,K]
    dist = z2 - 2.0 * dots + e2                             # [B,N,K]
    indices = jnp.argmin(dist, axis=-1)                     # [B,N] int
    quantized = jnp.take(codebook, indices, axis=0)         # gather [B,N,latent]
    # commitment loss (codebook detached; EMA-updated in the torch lib)
    commit_loss = jnp.mean((jax.lax.stop_gradient(quantized) - z) ** 2) * COMMITMENT_WEIGHT
    # straight-through estimator
    quantized_st = z + jax.lax.stop_gradient(quantized - z)
    # decoder: Linear(latent_dim -> input_dim)
    out = jnp.einsum('bnl,dl->bnd', quantized_st, dec_W) + dec_b
    return out, indices, commit_loss

if __name__ == "__main__":
    import jax
    _d = setup_inputs()
    print(jax.jit(kernel)(*tuple(_d.values())))

</pallas_src>

<mosaic_0001>
#map = affine_map<(d0, d1) -> (0, 0)>
#map1 = affine_map<(d0, d1) -> (0, 0, 0)>
module attributes {stable_mosaic.version = 14 : i64} {
  func.func @body(%arg0: i32, %arg1: i32, %arg2: memref<128x768xf32, #tpu.memory_space<hbm>>, %arg3: memref<32x1x64xi32, #tpu.memory_space<hbm>>, %arg4: memref<32768x768xf32, #tpu.memory_space<hbm>>, %arg5: memref<1x64xi32, #tpu.memory_space<vmem>>, %arg6: memref<64x768xf32, #tpu.memory_space<vmem>>, %arg7: memref<64x768xf32, #tpu.memory_space<vmem>>, %arg8: memref<!tpu.dma_semaphore, #tpu.memory_space<semaphore_mem>>, %arg9: memref<!tpu.dma_semaphore, #tpu.memory_space<semaphore_mem>>, %arg10: memref<!tpu.dma_semaphore, #tpu.memory_space<semaphore_mem>>, %arg11: memref<!tpu.dma_semaphore, #tpu.memory_space<semaphore_mem>>) attributes {dimension_semantics = [#tpu.dimension_semantics<core_parallel>, #tpu.dimension_semantics<subcore_parallel>], iteration_bounds = array<i64: 2, 16>, scalar_prefetch = 0 : i64, scratch_operands = 7 : i64, tpu.core_type = #tpu.core_type<sc_vector_subcore>, window_params = [{transform_indices = #map}, {transform_indices = #map1}, {transform_indices = #map}]} {
    %mul3A = arith.constant 2 : i32
    %mul3A_0 = arith.muli %arg1, %mul3A : i32
    %add3A = arith.addi %mul3A_0, %arg0 : i32
    "tpu.region"() ({
      %run_scoped3A = tpu.sem_alloc : memref<!tpu.dma_semaphore, #tpu.memory_space<semaphore_mem>>
      %dma_start3A_25 = arith.constant 0 : i32
      %dma_start3A_26 = arith.constant 0 : i32
      %dma_start3A_27 = tpu.memref_slice %arg3[%add3A, %dma_start3A_25, %dma_start3A_26] : memref<32x1x64xi32, #tpu.memory_space<hbm>> -> memref<1x1x64xi32, #tpu.memory_space<hbm>>
      %dma_start3A_28 = tpu.memref_squeeze %dma_start3A_27 : memref<1x1x64xi32, #tpu.memory_space<hbm>> -> memref<1x64xi32, #tpu.memory_space<hbm>>
      %dma_start3A_29 = arith.constant 0 : i32
      %dma_start3A_30 = arith.constant 0 : i32
      %dma_start3A_31 = tpu.memref_slice %arg3[%add3A, %dma_start3A_29, %dma_start3A_30] : memref<32x1x64xi32, #tpu.memory_space<hbm>> -> memref<1x1x64xi32, #tpu.memory_space<hbm>>
      %dma_start3A_32 = tpu.memref_squeeze %dma_start3A_31 : memref<1x1x64xi32, #tpu.memory_space<hbm>> -> memref<1x64xi32, #tpu.memory_space<hbm>>
      tpu.enqueue_dma source(%dma_start3A_32 : memref<1x64xi32, #tpu.memory_space<hbm>>) target(%arg5 : memref<1x64xi32, #tpu.memory_space<vmem>>) target_semaphore(%run_scoped3A : memref<!tpu.dma_semaphore, #tpu.memory_space<semaphore_mem>>)
      %dma_wait3A_33 = arith.constant 0 : i32
      %dma_wait3A_34 = arith.constant 0 : i32
      %dma_wait3A_35 = tpu.memref_slice %arg3[%add3A, %dma_wait3A_33, %dma_wait3A_34] : memref<32x1x64xi32, #tpu.memory_space<hbm>> -> memref<1x1x64xi32, #tpu.memory_space<hbm>>
      %dma_wait3A_36 = tpu.memref_squeeze %dma_wait3A_35 : memref<1x1x64xi32, #tpu.memory_space<hbm>> -> memref<1x64xi32, #tpu.memory_space<hbm>>
      %dma_wait3A_37 = arith.constant 0 : i32
      %dma_wait3A_38 = arith.constant 0 : i32
      %dma_wait3A_39 = tpu.memref_slice %arg3[%add3A, %dma_wait3A_37, %dma_wait3A_38] : memref<32x1x64xi32, #tpu.memory_space<hbm>> -> memref<1x1x64xi32, #tpu.memory_space<hbm>>
      %dma_wait3A_40 = tpu.memref_squeeze %dma_wait3A_39 : memref<1x1x64xi32, #tpu.memory_space<hbm>> -> memref<1x64xi32, #tpu.memory_space<hbm>>
      tpu.wait_dma2 semaphore(%run_scoped3A : memref<!tpu.dma_semaphore, #tpu.memory_space<semaphore_mem>>) src(%dma_wait3A_40 : memref<1x64xi32, #tpu.memory_space<hbm>>) dst(%arg5 : memref<1x64xi32, #tpu.memory_space<vmem>>)
      tpu.yield
    }) : () -> ()
    %mul3A_1 = arith.constant 64 : i32
    %mul3A_2 = arith.muli %add3A, %mul3A_1 : i32
    %dma_start3A = arith.constant 0 : i32
    %dma_start3A_3 = arith.constant 0 : i32
    %dma_start3A_4 = tpu.memref_slice %arg5[%dma_start3A, %dma_start3A_3] : memref<1x64xi32, #tpu.memory_space<vmem>> -> memref<1x64xi32, #tpu.memory_space<vmem>>
    %dma_start3A_5 = tpu.memref_squeeze %dma_start3A_4 : memref<1x64xi32, #tpu.memory_space<vmem>> -> memref<64xi32, #tpu.memory_space<vmem>>
    %dma_start3A_6 = arith.constant 0 : i32
    %dma_start3A_7 = arith.constant 0 : i32
    %dma_start3A_8 = tpu.memref_slice %arg2[%dma_start3A_6, %dma_start3A_7] : memref<128x768xf32, #tpu.memory_space<hbm>> -> memref<128x768xf32, #tpu.memory_space<hbm>>
    tpu.enqueue_indirect_dma source(%dma_start3A_8 : memref<128x768xf32, #tpu.memory_space<hbm>>) target(%arg6 : memref<64x768xf32, #tpu.memory_space<vmem>>) offsets(%dma_start3A_5 : memref<64xi32, #tpu.memory_space<vmem>>) semaphore(%arg8 : memref<!tpu.dma_semaphore, #tpu.memory_space<semaphore_mem>>)
    %dma_wait3A = arith.constant 0 : i32
    %dma_wait3A_9 = arith.constant 0 : i32
    %dma_wait3A_10 = tpu.memref_slice %arg5[%dma_wait3A, %dma_wait3A_9] : memref<1x64xi32, #tpu.memory_space<vmem>> -> memref<1x64xi32, #tpu.memory_space<vmem>>
    %dma_wait3A_11 = tpu.memref_squeeze %dma_wait3A_10 : memref<1x64xi32, #tpu.memory_space<vmem>> -> memref<64xi32, #tpu.memory_space<vmem>>
    %dma_wait3A_12 = arith.constant 0 : i32
    %dma_wait3A_13 = arith.constant 0 : i32
    %dma_wait3A_14 = tpu.memref_slice %arg2[%dma_wait3A_12, %dma_wait3A_13] : memref<128x768xf32, #tpu.memory_space<hbm>> -> memref<128x768xf32, #tpu.memory_space<hbm>>
    tpu.wait_indirect_dma semaphore(%arg8 : memref<!tpu.dma_semaphore, #tpu.memory_space<semaphore_mem>>) src(%dma_wait3A_14 : memref<128x768xf32, #tpu.memory_space<hbm>>) dst(%arg6 : memref<64x768xf32, #tpu.memory_space<vmem>>)
    %add3A_15 = arith.constant 0 : i32
    %add3A_16 = arith.addi %mul3A_2, %add3A_15 : i32
    %dma_start3A_17 = arith.constant 0 : i32
    %dma_start3A_18 = tpu.memref_slice %arg4[%add3A_16, %dma_start3A_17] : memref<32768x768xf32, #tpu.memory_space<hbm>> -> memref<64x768xf32, #tpu.memory_space<hbm>>
    %dma_start3A_19 = arith.constant 0 : i32
    %dma_start3A_20 = tpu.memref_slice %arg4[%add3A_16, %dma_start3A_19] : memref<32768x768xf32, #tpu.memory_space<hbm>> -> memref<64x768xf32, #tpu.memory_space<hbm>>
    tpu.enqueue_dma source(%arg6 : memref<64x768xf32, #tpu.memory_space<vmem>>) target(%dma_start3A_20 : memref<64x768xf32, #tpu.memory_space<hbm>>) target_semaphore(%arg10 : memref<!tpu.dma_semaphore, #tpu.memory_space<semaphore_mem>>)
    %dma_wait3A_21 = arith.constant 0 : i32
    %dma_wait3A_22 = tpu.memref_slice %arg4[%add3A_16, %dma_wait3A_21] : memref<32768x768xf32, #tpu.memory_space<hbm>> -> memref<64x768xf32, #tpu.memory_space<hbm>>
    %dma_wait3A_23 = arith.constant 0 : i32
    %dma_wait3A_24 = tpu.memref_slice %arg4[%add3A_16, %dma_wait3A_23] : memref<32768x768xf32, #tpu.memory_space<hbm>> -> memref<64x768xf32, #tpu.memory_space<hbm>>
    tpu.wait_dma2 semaphore(%arg10 : memref<!tpu.dma_semaphore, #tpu.memory_space<semaphore_mem>>) src(%arg6 : memref<64x768xf32, #tpu.memory_space<vmem>>) dst(%dma_wait3A_24 : memref<64x768xf32, #tpu.memory_space<hbm>>)
    return
  }
}

module attributes {stable_mosaic.version = 14 : i64} {
  func.func @_tc_b_body(%arg0: i32, %arg1: memref<2048x768xf32, #tpu.memory_space<vmem>>, %arg2: memref<64x768xf32, #tpu.memory_space<vmem>>, %arg3: memref<1x64xf32, #tpu.memory_space<vmem>>, %arg4: memref<128x64xf32, #tpu.memory_space<vmem>>, %arg5: memref<128x768xf32, #tpu.memory_space<vmem>>, %arg6: memref<32768x768xf32, #tpu.memory_space<any>>, %arg7: memref<2048xi32, #tpu.memory_space<vmem>>, %arg8: memref<1x1xf32, #tpu.memory_space<vmem>>, %arg9: memref<2048x768xf32, #tpu.memory_space<vmem>>) attributes {dimension_semantics = [#tpu.dimension_semantics<arbitrary>], iteration_bounds = array<i64: 15>, scalar_prefetch = 0 : i64, scratch_operands = 0 : i64, tpu.core_type = #tpu.core_type<tc>, window_params = [{transform_indices = @transform_0, window_bounds = array<i64: 2048, 768>}, {pipeline_mode = #tpu.pipeline_mode<synchronous>, transform_indices = @transform_1, window_bounds = array<i64: 64, 768>}, {pipeline_mode = #tpu.pipeline_mode<synchronous>, transform_indices = @transform_2, window_bounds = array<i64: 1, 64>}, {pipeline_mode = #tpu.pipeline_mode<synchronous>, transform_indices = @transform_3, window_bounds = array<i64: 128, 64>}, {pipeline_mode = #tpu.pipeline_mode<synchronous>, transform_indices = @transform_4, window_bounds = array<i64: 128, 768>}, {}, {transform_indices = @transform_6, window_bounds = array<i64: 2048>}, {pipeline_mode = #tpu.pipeline_mode<synchronous>, transform_indices = @transform_7, window_bounds = array<i64: 1, 1>}, {transform_indices = @transform_8, window_bounds = array<i64: 2048, 768>}]} {
    %get3A = arith.constant 0 : index
    %get3A_0 = arith.constant 0 : index
    %get3A_1 = vector.load %arg1[%get3A, %get3A_0] : memref<2048x768xf32, #tpu.memory_space<vmem>>, vector<2048x768xf32>
    %get3A_2 = arith.constant 0 : index
    %get3A_3 = arith.constant 0 : index
    %get3A_4 = vector.load %arg2[%get3A_2, %get3A_3] : memref<64x768xf32, #tpu.memory_space<vmem>>, vector<64x768xf32>
    %get3A_5 = arith.constant 0 : index
    %get3A_6 = arith.constant 0 : index
    %get3A_7 = vector.load %arg3[%get3A_5, %get3A_6] : memref<1x64xf32, #tpu.memory_space<vmem>>, vector<1x64xf32>
    %get3A_8 = arith.constant 0 : index
    %get3A_9 = arith.constant 0 : index
    %get3A_10 = vector.load %arg4[%get3A_8, %get3A_9] : memref<128x64xf32, #tpu.memory_space<vmem>>, vector<128x64xf32>
    %dot_general3A = arith.constant dense<0.000000e+00> : vector<2048x64xf32>
    %dot_general3A_11 = tpu.matmul %get3A_1, %get3A_4, %dot_general3A {dimension_numbers = #tpu.dot_dimension_numbers<[1], [1], [0], [0], [0, 0, 1, 0], [], []>, transpose_lhs_hint = false} : vector<2048x768xf32>, vector<64x768xf32>, vector<2048x64xf32> -> vector<2048x64xf32>
    %add3A = vector.broadcast %get3A_7 : vector<1x64xf32> to vector<2048x64xf32>
    %add3A_12 = arith.addf %dot_general3A_11, %add3A : vector<2048x64xf32>
    %dot_general3A_13 = arith.constant dense<0.000000e+00> : vector<2048x128xf32>
    %dot_general3A_14 = tpu.matmul %add3A_12, %get3A_10, %dot_general3A_13 {dimension_numbers = #tpu.dot_dimension_numbers<[1], [1], [0], [0], [0, 0, 1, 0], [], []>, transpose_lhs_hint = false} : vector<2048x64xf32>, vector<128x64xf32>, vector<2048x128xf32> -> vector<2048x128xf32>
    %mul3A = arith.mulf %add3A_12, %add3A_12 : vector<2048x64xf32>
    %reduce_sum3A = arith.constant dense<0.000000e+00> : vector<2048xf32>
    %reduce_sum3A_15 = vector.multi_reduction <add>, %mul3A, %reduce_sum3A [1] : vector<2048x64xf32> to vector<2048xf32>
    %broadcast_in_dim3A = vector.shape_cast %reduce_sum3A_15 : vector<2048xf32> to vector<2048x1xf32>
    %mul3A_16 = arith.mulf %get3A_10, %get3A_10 : vector<128x64xf32>
    %reduce_sum3A_17 = arith.constant dense<0.000000e+00> : vector<128xf32>
    %reduce_sum3A_18 = vector.multi_reduction <add>, %mul3A_16, %reduce_sum3A_17 [1] : vector<128x64xf32> to vector<128xf32>
    %mul3A_19 = arith.constant 2.000000e+00 : f32
    %mul3A_20 = vector.broadcast %mul3A_19 : f32 to vector<2048x128xf32>
    %mul3A_21 = arith.mulf %mul3A_20, %dot_general3A_14 : vector<2048x128xf32>
    %sub3A = vector.broadcast %broadcast_in_dim3A : vector<2048x1xf32> to vector<2048x128xf32>
    %sub3A_22 = arith.subf %sub3A, %mul3A_21 : vector<2048x128xf32>
    %broadcast_in_dim3A_23 = vector.shape_cast %reduce_sum3A_18 : vector<128xf32> to vector<1x128xf32>
    %add3A_24 = vector.broadcast %broadcast_in_dim3A_23 : vector<1x128xf32> to vector<2048x128xf32>
    %add3A_25 = arith.addf %sub3A_22, %add3A_24 : vector<2048x128xf32>
    %reduce_min3A = arith.constant dense<0x7F800000> : vector<2048xf32>
    %reduce_min3A_26 = vector.multi_reduction <minimumf>, %add3A_25, %reduce_min3A [1] : vector<2048x128xf32> to vector<2048xf32>
    %broadcast_in_dim3A_27 = vector.shape_cast %reduce_min3A_26 : vector<2048xf32> to vector<2048x1xf32>
    %iota3A = tpu.iota {dimensions = array<i32: 1>} : vector<2048x128xi32>
    %eq3A = vector.broadcast %broadcast_in_dim3A_27 : vector<2048x1xf32> to vector<2048x128xf32>
    %eq3A_28 = arith.cmpf oeq, %add3A_25, %eq3A : vector<2048x128xf32>
    %jit3A = arith.constant 128 : i32
    %broadcast_in_dim3A_29 = vector.broadcast %jit3A : i32 to vector<2048x128xi32>
    %select_n3A = arith.select %eq3A_28, %iota3A, %broadcast_in_dim3A_29 : vector<2048x128xi1>, vector<2048x128xi32>
    %reduce_min3A_30 = arith.constant dense<2147483647> : vector<2048xi32>
    %reduce_min3A_31 = vector.multi_reduction <minsi>, %select_n3A, %reduce_min3A_30 [1] : vector<2048x128xi32> to vector<2048xi32>
    %broadcast_in_dim3A_32 = vector.shape_cast %reduce_min3A_31 : vector<2048xi32> to vector<2048x1xi32>
    %eq3A_33 = vector.broadcast %broadcast_in_dim3A_32 : vector<2048x1xi32> to vector<2048x128xi32>
    %eq3A_34 = arith.cmpi eq, %iota3A, %eq3A_33 : vector<2048x128xi32>
    %convert_element_type3A = arith.extui %eq3A_34 : vector<2048x128xi1> to vector<2048x128xi32>
    %convert_element_type3A_35 = arith.sitofp %convert_element_type3A : vector<2048x128xi32> to vector<2048x128xf32>
    %dot_general3A_36 = arith.constant dense<0.000000e+00> : vector<2048x64xf32>
    %dot_general3A_37 = tpu.matmul %convert_element_type3A_35, %get3A_10, %dot_general3A_36 {dimension_numbers = #tpu.dot_dimension_numbers<[1], [0], [0], [1], [0, 0, 1, 1], [], []>, transpose_lhs_hint = false} : vector<2048x128xf32>, vector<128x64xf32>, vector<2048x64xf32> -> vector<2048x64xf32>
    %sub3A_38 = arith.subf %dot_general3A_37, %add3A_12 : vector<2048x64xf32>
    %mul3A_39 = arith.mulf %sub3A_38, %sub3A_38 : vector<2048x64xf32>
    %reduce_sum3A_40 = vector.shape_cast %mul3A_39 : vector<2048x64xf32> to vector<1x2048x64xf32>
    %reduce_sum3A_41 = arith.constant dense<0.000000e+00> : vector<1xf32>
    %reduce_sum3A_42 = vector.multi_reduction <add>, %reduce_sum3A_40, %reduce_sum3A_41 [1, 2] : vector<1x2048x64xf32> to vector<1xf32>
    %reduce_sum3A_43 = vector.shape_cast %reduce_sum3A_42 : vector<1xf32> to vector<1x1x1xf32>
    %reduce_sum3A_44 = vector.extract %reduce_sum3A_43[0, 0, 0] : f32 from vector<1x1x1xf32>
    %swap3A = arith.constant 0 : index
    %swap3A_45 = vector.load %arg7[%swap3A] : memref<2048xi32, #tpu.memory_space<vmem>>, vector<2048xi32>
    tpu.vector_store %arg7[%swap3A], %reduce_min3A_31 {strides = array<i32>} : memref<2048xi32, #tpu.memory_space<vmem>>, vector<2048xi32>,
    %get3A_46 = arith.constant 0 : index
    %get3A_47 = arith.constant 0 : index
    %get3A_48 = vector.load %arg5[%get3A_46, %get3A_47] : memref<128x768xf32, #tpu.memory_space<vmem>>, vector<128x768xf32>
    %dot_general3A_49 = arith.constant dense<0.000000e+00> : vector<2048x768xf32>
    %dot_general3A_50 = tpu.matmul %convert_element_type3A_35, %get3A_48, %dot_general3A_49 {dimension_numbers = #tpu.dot_dimension_numbers<[1], [0], [0], [1], [0, 0, 1, 1], [], []>, transpose_lhs_hint = false} : vector<2048x128xf32>, vector<128x768xf32>, vector<2048x768xf32> -> vector<2048x768xf32>
    %swap3A_51 = arith.constant 0 : index
    %swap3A_52 = arith.constant 0 : index
    %swap3A_53 = vector.load %arg9[%swap3A_51, %swap3A_52] : memref<2048x768xf32, #tpu.memory_space<vmem>>, vector<2048x768xf32>
    tpu.vector_store %arg9[%swap3A_51, %swap3A_52], %dot_general3A_50 {strides = array<i32>} : memref<2048x768xf32, #tpu.memory_space<vmem>>, vector<2048x768xf32>,
    %eq3A_54 = arith.constant 0 : i32
    %eq3A_55 = arith.cmpi eq, %arg0, %eq3A_54 : i32
    %convert_element_type3A_56 = arith.extui %eq3A_55 : i1 to i32
    %cond3A = arith.constant 0 : i32
    %cond3A_57 = arith.cmpi ne, %convert_element_type3A_56, %cond3A : i32
    scf.if %cond3A_57 {
      %broadcast_in_dim3A_66 = arith.constant 0.000000e+00 : f32
      %broadcast_in_dim3A_67 = vector.broadcast %broadcast_in_dim3A_66 : f32 to vector<1x1xf32>
      %swap3A_68 = arith.constant 0 : index
      %swap3A_69 = arith.constant 0 : index
      %swap3A_70 = vector.load %arg8[%swap3A_68, %swap3A_69] : memref<1x1xf32, #tpu.memory_space<vmem>>, vector<1x1xf32>
      tpu.vector_store %arg8[%swap3A_68, %swap3A_69], %broadcast_in_dim3A_67 {strides = array<i32>} : memref<1x1xf32, #tpu.memory_space<vmem>>, vector<1x1xf32>,
    } else {
    }
    %get3A_58 = arith.constant 0 : index
    %get3A_59 = arith.constant 0 : index
    %get3A_60 = vector.load %arg8[%get3A_58, %get3A_59] : memref<1x1xf32, #tpu.memory_space<vmem>>, vector<1x1xf32>
    %broadcast_in_dim3A_61 = vector.broadcast %reduce_sum3A_44 : f32 to vector<1x1xf32>
    %add3A_62 = arith.addf %get3A_60, %broadcast_in_dim3A_61 : vector<1x1xf32>
    %swap3A_63 = arith.constant 0 : index
    %swap3A_64 = arith.constant 0 : index
    %swap3A_65 = vector.load %arg8[%swap3A_63, %swap3A_64] : memref<1x1xf32, #tpu.memory_space<vmem>>, vector<1x1xf32>
    tpu.vector_store %arg8[%swap3A_63, %swap3A_64], %add3A_62 {strides = array<i32>} : memref<1x1xf32, #tpu.memory_space<vmem>>, vector<1x1xf32>,
    return
  }
  func.func @transform_0(%arg0: i32) -> (i32, i32) {
    %add3A = arith.constant 1 : i32
    %add3A_0 = arith.addi %arg0, %add3A : i32
    %c0_i32 = arith.constant 0 : i32
    %c0_i32_1 = arith.constant 0 : i32
    return %add3A_0, %c0_i32 : i32, i32
  }
  func.func @transform_1(%arg0: i32) -> (i32, i32) {
    %c0_i32 = arith.constant 0 : i32
    %c0_i32_0 = arith.constant 0 : i32
    %c0_i32_1 = arith.constant 0 : i32
    return %c0_i32, %c0_i32_0 : i32, i32
  }
  func.func @transform_2(%arg0: i32) -> (i32, i32) {
    %c0_i32 = arith.constant 0 : i32
    %c0_i32_0 = arith.constant 0 : i32
    %c0_i32_1 = arith.constant 0 : i32
    return %c0_i32, %c0_i32_0 : i32, i32
  }
  func.func @transform_3(%arg0: i32) -> (i32, i32) {
    %c0_i32 = arith.constant 0 : i32
    %c0_i32_0 = arith.constant 0 : i32
    %c0_i32_1 = arith.constant 0 : i32
    return %c0_i32, %c0_i32_0 : i32, i32
  }
  func.func @transform_4(%arg0: i32) -> (i32, i32) {
    %c0_i32 = arith.constant 0 : i32
    %c0_i32_0 = arith.constant 0 : i32
    %c0_i32_1 = arith.constant 0 : i32
    return %c0_i32, %c0_i32_0 : i32, i32
  }
  func.func @transform_6(%arg0: i32) -> i32 {
    %c0_i32 = arith.constant 0 : i32
    return %arg0 : i32
  }
  func.func @transform_7(%arg0: i32) -> (i32, i32) {
    %c0_i32 = arith.constant 0 : i32
    %c0_i32_0 = arith.constant 0 : i32
    %c0_i32_1 = arith.constant 0 : i32
    return %c0_i32, %c0_i32_0 : i32, i32
  }
  func.func @transform_8(%arg0: i32) -> (i32, i32) {
    %add3A = arith.constant 1 : i32
    %add3A_0 = arith.addi %arg0, %add3A : i32
    %c0_i32 = arith.constant 0 : i32
    %c0_i32_1 = arith.constant 0 : i32
    return %add3A_0, %c0_i32 : i32, i32
  }
}

module attributes {stable_mosaic.version = 14 : i64} {
  func.func @_tc_a_body(%arg0: i32, %arg1: memref<2048x768xf32, #tpu.memory_space<vmem>>, %arg2: memref<64x768xf32, #tpu.memory_space<vmem>>, %arg3: memref<1x64xf32, #tpu.memory_space<vmem>>, %arg4: memref<128x64xf32, #tpu.memory_space<vmem>>, %arg5: memref<768x64xf32, #tpu.memory_space<vmem>>, %arg6: memref<1x768xf32, #tpu.memory_space<vmem>>, %arg7: memref<2048xi32, #tpu.memory_space<vmem>>, %arg8: memref<1x1xf32, #tpu.memory_space<vmem>>, %arg9: memref<128x768xf32, #tpu.memory_space<vmem>>) attributes {dimension_semantics = [#tpu.dimension_semantics<arbitrary>], iteration_bounds = array<i64: 1>, scalar_prefetch = 0 : i64, scratch_operands = 0 : i64, tpu.core_type = #tpu.core_type<tc>, window_params = [{transform_indices = @transform_0, window_bounds = array<i64: 2048, 768>}, {pipeline_mode = #tpu.pipeline_mode<synchronous>, transform_indices = @transform_1, window_bounds = array<i64: 64, 768>}, {pipeline_mode = #tpu.pipeline_mode<synchronous>, transform_indices = @transform_2, window_bounds = array<i64: 1, 64>}, {pipeline_mode = #tpu.pipeline_mode<synchronous>, transform_indices = @transform_3, window_bounds = array<i64: 128, 64>}, {pipeline_mode = #tpu.pipeline_mode<synchronous>, transform_indices = @transform_4, window_bounds = array<i64: 768, 64>}, {pipeline_mode = #tpu.pipeline_mode<synchronous>, transform_indices = @transform_5, window_bounds = array<i64: 1, 768>}, {transform_indices = @transform_6, window_bounds = array<i64: 2048>}, {pipeline_mode = #tpu.pipeline_mode<synchronous>, transform_indices = @transform_7, window_bounds = array<i64: 1, 1>}, {pipeline_mode = #tpu.pipeline_mode<synchronous>, transform_indices = @transform_8, window_bounds = array<i64: 128, 768>}]} {
    %get3A = arith.constant 0 : index
    %get3A_0 = arith.constant 0 : index
    %get3A_1 = vector.load %arg1[%get3A, %get3A_0] : memref<2048x768xf32, #tpu.memory_space<vmem>>, vector<2048x768xf32>
    %get3A_2 = arith.constant 0 : index
    %get3A_3 = arith.constant 0 : index
    %get3A_4 = vector.load %arg2[%get3A_2, %get3A_3] : memref<64x768xf32, #tpu.memory_space<vmem>>, vector<64x768xf32>
    %get3A_5 = arith.constant 0 : index
    %get3A_6 = arith.constant 0 : index
    %get3A_7 = vector.load %arg3[%get3A_5, %get3A_6] : memref<1x64xf32, #tpu.memory_space<vmem>>, vector<1x64xf32>
    %get3A_8 = arith.constant 0 : index
    %get3A_9 = arith.constant 0 : index
    %get3A_10 = vector.load %arg4[%get3A_8, %get3A_9] : memref<128x64xf32, #tpu.memory_space<vmem>>, vector<128x64xf32>
    %dot_general3A = arith.constant dense<0.000000e+00> : vector<2048x64xf32>
    %dot_general3A_11 = tpu.matmul %get3A_1, %get3A_4, %dot_general3A {dimension_numbers = #tpu.dot_dimension_numbers<[1], [1], [0], [0], [0, 0, 1, 0], [], []>, transpose_lhs_hint = false} : vector<2048x768xf32>, vector<64x768xf32>, vector<2048x64xf32> -> vector<2048x64xf32>
    %add3A = vector.broadcast %get3A_7 : vector<1x64xf32> to vector<2048x64xf32>
    %add3A_12 = arith.addf %dot_general3A_11, %add3A : vector<2048x64xf32>
    %dot_general3A_13 = arith.constant dense<0.000000e+00> : vector<2048x128xf32>
    %dot_general3A_14 = tpu.matmul %add3A_12, %get3A_10, %dot_general3A_13 {dimension_numbers = #tpu.dot_dimension_numbers<[1], [1], [0], [0], [0, 0, 1, 0], [], []>, transpose_lhs_hint = false} : vector<2048x64xf32>, vector<128x64xf32>, vector<2048x128xf32> -> vector<2048x128xf32>
    %mul3A = arith.mulf %add3A_12, %add3A_12 : vector<2048x64xf32>
    %reduce_sum3A = arith.constant dense<0.000000e+00> : vector<2048xf32>
    %reduce_sum3A_15 = vector.multi_reduction <add>, %mul3A, %reduce_sum3A [1] : vector<2048x64xf32> to vector<2048xf32>
    %broadcast_in_dim3A = vector.shape_cast %reduce_sum3A_15 : vector<2048xf32> to vector<2048x1xf32>
    %mul3A_16 = arith.mulf %get3A_10, %get3A_10 : vector<128x64xf32>
    %reduce_sum3A_17 = arith.constant dense<0.000000e+00> : vector<128xf32>
    %reduce_sum3A_18 = vector.multi_reduction <add>, %mul3A_16, %reduce_sum3A_17 [1] : vector<128x64xf32> to vector<128xf32>
    %mul3A_19 = arith.constant 2.000000e+00 : f32
    %mul3A_20 = vector.broadcast %mul3A_19 : f32 to vector<2048x128xf32>
    %mul3A_21 = arith.mulf %mul3A_20, %dot_general3A_14 : vector<2048x128xf32>
    %sub3A = vector.broadcast %broadcast_in_dim3A : vector<2048x1xf32> to vector<2048x128xf32>
    %sub3A_22 = arith.subf %sub3A, %mul3A_21 : vector<2048x128xf32>
    %broadcast_in_dim3A_23 = vector.shape_cast %reduce_sum3A_18 : vector<128xf32> to vector<1x128xf32>
    %add3A_24 = vector.broadcast %broadcast_in_dim3A_23 : vector<1x128xf32> to vector<2048x128xf32>
    %add3A_25 = arith.addf %sub3A_22, %add3A_24 : vector<2048x128xf32>
    %reduce_min3A = arith.constant dense<0x7F800000> : vector<2048xf32>
    %reduce_min3A_26 = vector.multi_reduction <minimumf>, %add3A_25, %reduce_min3A [1] : vector<2048x128xf32> to vector<2048xf32>
    %broadcast_in_dim3A_27 = vector.shape_cast %reduce_min3A_26 : vector<2048xf32> to vector<2048x1xf32>
    %iota3A = tpu.iota {dimensions = array<i32: 1>} : vector<2048x128xi32>
    %eq3A = vector.broadcast %broadcast_in_dim3A_27 : vector<2048x1xf32> to vector<2048x128xf32>
    %eq3A_28 = arith.cmpf oeq, %add3A_25, %eq3A : vector<2048x128xf32>
    %jit3A = arith.constant 128 : i32
    %broadcast_in_dim3A_29 = vector.broadcast %jit3A : i32 to vector<2048x128xi32>
    %select_n3A = arith.select %eq3A_28, %iota3A, %broadcast_in_dim3A_29 : vector<2048x128xi1>, vector<2048x128xi32>
    %reduce_min3A_30 = arith.constant dense<2147483647> : vector<2048xi32>
    %reduce_min3A_31 = vector.multi_reduction <minsi>, %select_n3A, %reduce_min3A_30 [1] : vector<2048x128xi32> to vector<2048xi32>
    %broadcast_in_dim3A_32 = vector.shape_cast %reduce_min3A_31 : vector<2048xi32> to vector<2048x1xi32>
    %eq3A_33 = vector.broadcast %broadcast_in_dim3A_32 : vector<2048x1xi32> to vector<2048x128xi32>
    %eq3A_34 = arith.cmpi eq, %iota3A, %eq3A_33 : vector<2048x128xi32>
    %convert_element_type3A = arith.extui %eq3A_34 : vector<2048x128xi1> to vector<2048x128xi32>
    %convert_element_type3A_35 = arith.sitofp %convert_element_type3A : vector<2048x128xi32> to vector<2048x128xf32>
    %dot_general3A_36 = arith.constant dense<0.000000e+00> : vector<2048x64xf32>
    %dot_general3A_37 = tpu.matmul %convert_element_type3A_35, %get3A_10, %dot_general3A_36 {dimension_numbers = #tpu.dot_dimension_numbers<[1], [0], [0], [1], [0, 0, 1, 1], [], []>, transpose_lhs_hint = false} : vector<2048x128xf32>, vector<128x64xf32>, vector<2048x64xf32> -> vector<2048x64xf32>
    %sub3A_38 = arith.subf %dot_general3A_37, %add3A_12 : vector<2048x64xf32>
    %mul3A_39 = arith.mulf %sub3A_38, %sub3A_38 : vector<2048x64xf32>
    %reduce_sum3A_40 = vector.shape_cast %mul3A_39 : vector<2048x64xf32> to vector<1x2048x64xf32>
    %reduce_sum3A_41 = arith.constant dense<0.000000e+00> : vector<1xf32>
    %reduce_sum3A_42 = vector.multi_reduction <add>, %reduce_sum3A_40, %reduce_sum3A_41 [1, 2] : vector<1x2048x64xf32> to vector<1xf32>
    %reduce_sum3A_43 = vector.shape_cast %reduce_sum3A_42 : vector<1xf32> to vector<1x1x1xf32>
    %reduce_sum3A_44 = vector.extract %reduce_sum3A_43[0, 0, 0] : f32 from vector<1x1x1xf32>
    %swap3A = arith.constant 0 : index
    %swap3A_45 = vector.load %arg7[%swap3A] : memref<2048xi32, #tpu.memory_space<vmem>>, vector<2048xi32>
    tpu.vector_store %arg7[%swap3A], %reduce_min3A_31 {strides = array<i32>} : memref<2048xi32, #tpu.memory_space<vmem>>, vector<2048xi32>,
    %eq3A_46 = arith.constant 0 : i32
    %eq3A_47 = arith.cmpi eq, %arg0, %eq3A_46 : i32
    %convert_element_type3A_48 = arith.extui %eq3A_47 : i1 to i32
    %cond3A = arith.constant 0 : i32
    %cond3A_49 = arith.cmpi ne, %convert_element_type3A_48, %cond3A : i32
    scf.if %cond3A_49 {
      %broadcast_in_dim3A_58 = arith.constant 0.000000e+00 : f32
      %broadcast_in_dim3A_59 = vector.broadcast %broadcast_in_dim3A_58 : f32 to vector<1x1xf32>
      %swap3A_60 = arith.constant 0 : index
      %swap3A_61 = arith.constant 0 : index
      %swap3A_62 = vector.load %arg8[%swap3A_60, %swap3A_61] : memref<1x1xf32, #tpu.memory_space<vmem>>, vector<1x1xf32>
      tpu.vector_store %arg8[%swap3A_60, %swap3A_61], %broadcast_in_dim3A_59 {strides = array<i32>} : memref<1x1xf32, #tpu.memory_space<vmem>>, vector<1x1xf32>,
      %get3A_63 = arith.constant 0 : index
      %get3A_64 = arith.constant 0 : index
      %get3A_65 = vector.load %arg4[%get3A_63, %get3A_64] : memref<128x64xf32, #tpu.memory_space<vmem>>, vector<128x64xf32>
      %get3A_66 = arith.constant 0 : index
      %get3A_67 = arith.constant 0 : index
      %get3A_68 = vector.load %arg5[%get3A_66, %get3A_67] : memref<768x64xf32, #tpu.memory_space<vmem>>, vector<768x64xf32>
      %dot_general3A_69 = arith.constant dense<0.000000e+00> : vector<128x768xf32>
      %dot_general3A_70 = tpu.matmul %get3A_65, %get3A_68, %dot_general3A_69 {dimension_numbers = #tpu.dot_dimension_numbers<[1], [1], [0], [0], [0, 0, 1, 0], [], []>, transpose_lhs_hint = false} : vector<128x64xf32>, vector<768x64xf32>, vector<128x768xf32> -> vector<128x768xf32>
      %get3A_71 = arith.constant 0 : index
      %get3A_72 = arith.constant 0 : index
      %get3A_73 = vector.load %arg6[%get3A_71, %get3A_72] : memref<1x768xf32, #tpu.memory_space<vmem>>, vector<1x768xf32>
      %add3A_74 = vector.broadcast %get3A_73 : vector<1x768xf32> to vector<128x768xf32>
      %add3A_75 = arith.addf %dot_general3A_70, %add3A_74 : vector<128x768xf32>
      %swap3A_76 = arith.constant 0 : index
      %swap3A_77 = arith.constant 0 : index
      %swap3A_78 = vector.load %arg9[%swap3A_76, %swap3A_77] : memref<128x768xf32, #tpu.memory_space<vmem>>, vector<128x768xf32>
      tpu.vector_store %arg9[%swap3A_76, %swap3A_77], %add3A_75 {strides = array<i32>} : memref<128x768xf32, #tpu.memory_space<vmem>>, vector<128x768xf32>,
    } else {
    }
    %get3A_50 = arith.constant 0 : index
    %get3A_51 = arith.constant 0 : index
    %get3A_52 = vector.load %arg8[%get3A_50, %get3A_51] : memref<1x1xf32, #tpu.memory_space<vmem>>, vector<1x1xf32>
    %broadcast_in_dim3A_53 = vector.broadcast %reduce_sum3A_44 : f32 to vector<1x1xf32>
    %add3A_54 = arith.addf %get3A_52, %broadcast_in_dim3A_53 : vector<1x1xf32>
    %swap3A_55 = arith.constant 0 : index
    %swap3A_56 = arith.constant 0 : index
    %swap3A_57 = vector.load %arg8[%swap3A_55, %swap3A_56] : memref<1x1xf32, #tpu.memory_space<vmem>>, vector<1x1xf32>
    tpu.vector_store %arg8[%swap3A_55, %swap3A_56], %add3A_54 {strides = array<i32>} : memref<1x1xf32, #tpu.memory_space<vmem>>, vector<1x1xf32>,
    return
  }
  func.func @transform_0(%arg0: i32) -> (i32, i32) {
    %c0_i32 = arith.constant 0 : i32
    %c0_i32_0 = arith.constant 0 : i32
    return %arg0, %c0_i32 : i32, i32
  }
  func.func @transform_1(%arg0: i32) -> (i32, i32) {
    %c0_i32 = arith.constant 0 : i32
    %c0_i32_0 = arith.constant 0 : i32
    %c0_i32_1 = arith.constant 0 : i32
    return %c0_i32, %c0_i32_0 : i32, i32
  }
  func.func @transform_2(%arg0: i32) -> (i32, i32) {
    %c0_i32 = arith.constant 0 : i32
    %c0_i32_0 = arith.constant 0 : i32
    %c0_i32_1 = arith.constant 0 : i32
    return %c0_i32, %c0_i32_0 : i32, i32
  }
  func.func @transform_3(%arg0: i32) -> (i32, i32) {
    %c0_i32 = arith.constant 0 : i32
    %c0_i32_0 = arith.constant 0 : i32
    %c0_i32_1 = arith.constant 0 : i32
    return %c0_i32, %c0_i32_0 : i32, i32
  }
  func.func @transform_4(%arg0: i32) -> (i32, i32) {
    %c0_i32 = arith.constant 0 : i32
    %c0_i32_0 = arith.constant 0 : i32
    %c0_i32_1 = arith.constant 0 : i32
    return %c0_i32, %c0_i32_0 : i32, i32
  }
  func.func @transform_5(%arg0: i32) -> (i32, i32) {
    %c0_i32 = arith.constant 0 : i32
    %c0_i32_0 = arith.constant 0 : i32
    %c0_i32_1 = arith.constant 0 : i32
    return %c0_i32, %c0_i32_0 : i32, i32
  }
  func.func @transform_6(%arg0: i32) -> i32 {
    %c0_i32 = arith.constant 0 : i32
    return %arg0 : i32
  }
  func.func @transform_7(%arg0: i32) -> (i32, i32) {
    %c0_i32 = arith.constant 0 : i32
    %c0_i32_0 = arith.constant 0 : i32
    %c0_i32_1 = arith.constant 0 : i32
    return %c0_i32, %c0_i32_0 : i32, i32
  }
  func.func @transform_8(%arg0: i32) -> (i32, i32) {
    %c0_i32 = arith.constant 0 : i32
    %c0_i32_0 = arith.constant 0 : i32
    %c0_i32_1 = arith.constant 0 : i32
    return %c0_i32, %c0_i32_0 : i32, i32
  }
}

</mosaic_0001>

<sc_bundles>
// kernel: kernel.5.cloned.1.call-start
scs
__scs_entry_jumppad:
0x0: {  	(pc) =	sbr.rel $0x88, $3  }
0x1: {  	(tag) =	ssettag $0x0;
	lr =	simm.s32 $0x1  }
0x2: {  	[smem:$0x3F9B] =	sst lr;
	_ =	strace $0xD0000000  }
0x3: {  	_ = 	snop  }
0x4: {  	_ = 	snop  }
0x5: {  	_ = 	snop  }
0x6: {  	_ = 	snop  }
0x7: {  	_ = 	snop  }
__scs_overlays_trampoline_lowered:
0x8: {  	[smem:$0x3FAA] =	sst s0  }
0x9: {  	[smem:$0x3FAB] =	sst s1  }
0xa: {  	[smem:$0x3FAC] =	sst s2  }
0xb: {  	[smem:$0x3FAD] =	sst s3  }
0xc: {  	[smem:$0x3FAE] =	sst s4  }
0xd: {  	[smem:$0x3FAF] =	sst s5  }
0xe: {  	[smem:$0x3FB0] =	sst s6  }
0xf: {  	[smem:$0x3FB1] =	sst s7  }
0x10: {  	[smem:$0x3FB2] =	sst s8  }
0x11: {  	[smem:$0x3FB3] =	sst s9;
	s0 =	simm.s32 @!p0 $0x0  }
0x12: {  	s1 =	sld [smem:$0x3F99];
	s0 =	simm.s32 @p0 $0x1  }
0x13: {  	[smem:$0x3FB4] =	sst s0;
	s0 =	simm.s32 @!p1 $0x0  }
0x14: {  	s2 =	sld [smem:$0x3F98];
	s0 =	simm.s32 @p1 $0x1  }
0x15: {  	[smem:$0x3FB5] =	sst s0;
	s0 =	simm.s32 @!p2 $0x0  }
0x16: {  	s3 =	sld [smem:$0x3FDB];
	s0 =	simm.s32 @p2 $0x1  }
0x17: {  	s4 =	simm.s32 $0x1BF5;
	[smem:$0x3FB7] =	sst s0  }
0x18: {  	s0 =	sld [smem:$0x3F9A];
	_ =	swait.ge [sflag:s4], $0x0  }
0x19: {  	s7 =	sld [smem:$0x3F9B]  }
0x1a: {  	s8 =	sadd.s32 $0xFFFFE003, lr  }
0x1b: {  	s9 =	sadd.s32 $0xFFFFFEF7, lr;
	s5 =	simm.s32 $0xFFFFFFFF;
	p2 =	slt.u32 s8, $0xFFFFF086  }
0x1c: {  	p1 =	slt.u32 s9, $0xF7A;
	s5 =	simm.s32 @!p2 $0x0  }
0x1d: {  	s5 =	simm.s32 @p1 $0x1;
	p0 =	seq.s32 s7, s2  }
0x1e: {  	s7 =	smul.u32 @!p0 $0xF7A, s2;
	p2 =	seq.s32 @!p0 s5, $0x0  }
0x1f: {  	s9 =	smul.u32 $0xF7A, s1;
	s8 =	simm.s32 @!p0 $0x1BF5;
	p2 =	por !p2, p0  }
0x20: {  	[sflag:s8] =	ssyncset.s32 @!p0 $0xFFFFF086;
	s6 =	sadd.s32 @!p0 s3, s7;
	s7 =	simm.s32 @!p0 $0x108  }
0x21: {  	s3 =	sadd.s32 s3, s9;
	s6 =	sadd.s32 @!p0 $0x88, s6;
	s7 =	simm.s32 @p2 $0x1082  }
0x22: {  	[simem:s7], [sflag:s8] =	dma.local @!p0 [hbm:s6], $0xF7A  }
0x23: {  	s9 =	sor.u32 $0xD0000000, s2;
	s6 =	simm.s32 $0x108;
	_ =	swait.ge @!p0 [sflag:s8], $0x0  }
0x24: {  	s3 =	sadd.s32 $0x88, s3;
	s6 =	simm.s32 @!p1 $0x1082;
	[sflag:s4] =	ssyncset.s32 $0xFFFFF086  }
0x25: {  	[simem:s6], [sflag:s4] =	dma.local [hbm:s3], $0xF7A  }
0x26: {  	[smem:$0x3F9B] =	sst s1;
	(tag) =	ssettag s2;
	_ =	strace s9  }
0x27: {  	s1 =	sld [smem:$0x3FAB]  }
0x28: {  	s2 =	sld [smem:$0x3FAC]  }
0x29: {  	s4 =	sld [smem:$0x3FAE]  }
0x2a: {  	p0 =	seq.s32 s5, $0x0;
	s5 =	sld [smem:$0x3FAF]  }
0x2b: {  	s6 =	sld [smem:$0x3FB0]  }
0x2c: {  	s7 =	sld [smem:$0x3FB1]  }
0x2d: {  	s3 =	simm.s32 $0x108;
	s8 =	sld [smem:$0x3FB2]  }
0x2e: {  	s3 =	simm.s32 @!p0 $0x1082;
	s9 =	sld [smem:$0x3FB3]  }
0x2f: {  	lr =	sadd.s32 s0, s3;
	s0 =	sld [smem:$0x3FAA]  }
0x30: {  	s3 =	sld [smem:$0x3FAD]  }
0x31: {  	[smem:$0x3FB6] =	sst s10  }
0x32: {  	s10 =	sld [smem:$0x3FB4];
	_ =	sdelay $0x3  }
0x33: {  	p0 =	seq.s32 s10, $0x1;
	s10 =	sld [smem:$0x3FB6];
	_ =	sdelay $0x3  }
0x34: {  	[smem:$0x3FB6] =	sst s10  }
0x35: {  	s10 =	sld [smem:$0x3FB5];
	_ =	sdelay $0x3  }
0x36: {  	p1 =	seq.s32 s10, $0x1;
	s10 =	sld [smem:$0x3FB6];
	_ =	sdelay $0x3  }
0x37: {  	[smem:$0x3FB6] =	sst s10  }
0x38: {  	s10 =	sld [smem:$0x3FB7]  }
0x39: {  	_ = 	snop;
	(pc) =	sbr.ind lr, $3  }
0x3a: {  	_ = 	snop  }
0x3b: {  	_ = 	snop  }
0x3c: {  	p2 =	seq.s32 s10, $0x1;
	s10 =	sld [smem:$0x3FB6]  }
0x3d: {  	_ =	shalt  }
0x3e: {  	_ =	shalt  }
0x3f: {  	_ =	shalt  }
0x40: {  	_ =	shalt  }
0x41: {  	_ =	shalt  }
0x42: {  	_ =	shalt  }
0x43: {  	_ =	shalt  }
0x44: {  	_ =	shalt  }
0x45: {  	_ =	shalt  }
0x46: {  	_ =	shalt  }
0x47: {  	_ =	shalt  }
0x48: {  	_ =	shalt  }
0x49: {  	_ =	shalt  }
0x4a: {  	_ =	shalt  }
0x4b: {  	_ =	shalt  }
0x4c: {  	_ =	shalt  }
0x4d: {  	_ =	shalt  }
0x4e: {  	_ =	shalt  }
0x4f: {  	_ =	shalt  }
0x50: {  	_ =	shalt  }
0x51: {  	_ =	shalt  }
0x52: {  	_ =	shalt  }
0x53: {  	_ =	shalt  }
0x54: {  	_ =	shalt  }
0x55: {  	_ =	shalt  }
0x56: {  	_ =	shalt  }
0x57: {  	_ =	shalt  }
0x58: {  	_ =	shalt  }
0x59: {  	_ =	shalt  }
0x5a: {  	_ =	shalt  }
0x5b: {  	_ =	shalt  }
0x5c: {  	_ =	shalt  }
0x5d: {  	_ =	shalt  }
0x5e: {  	_ =	shalt  }
0x5f: {  	_ =	shalt  }
0x60: {  	_ =	shalt  }
0x61: {  	_ =	shalt  }
0x62: {  	_ =	shalt  }
0x63: {  	_ =	shalt  }
0x64: {  	_ =	shalt  }
0x65: {  	_ =	shalt  }
0x66: {  	_ =	shalt  }
0x67: {  	_ =	shalt  }
0x68: {  	_ =	shalt  }
0x69: {  	_ =	shalt  }
0x6a: {  	_ =	shalt  }
0x6b: {  	_ =	shalt  }
0x6c: {  	_ =	shalt  }
0x6d: {  	_ =	shalt  }
0x6e: {  	_ =	shalt  }
0x6f: {  	_ =	shalt  }
0x70: {  	_ =	shalt  }
0x71: {  	_ =	shalt  }
0x72: {  	_ =	shalt  }
0x73: {  	_ =	shalt  }
0x74: {  	_ =	shalt  }
0x75: {  	_ =	shalt  }
0x76: {  	_ =	shalt  }
0x77: {  	_ =	shalt  }
0x78: {  	_ =	shalt  }
0x79: {  	_ =	shalt  }
0x7a: {  	_ =	shalt  }
0x7b: {  	_ =	shalt  }
0x7c: {  	_ =	shalt  }
0x7d: {  	_ =	shalt  }
0x7e: {  	_ =	shalt  }
0x7f: {  	_ =	shalt  }
0x80: {  	_ =	shalt  }
0x81: {  	_ =	shalt  }
0x82: {  	_ =	shalt  }
0x83: {  	_ =	shalt  }
0x84: {  	_ =	shalt  }
0x85: {  	_ =	shalt  }
0x86: {  	_ =	shalt  }
0x87: {  	_ =	shalt  }
.Lfunc_end0:
.L_simem_size_0:
called_computation_lowered:
.L_overlay_start_0:
0x88: {  	s2 =	sld [smem:$0x3FD9]  }
0x89: {  	s3 =	sld [smem:$0x3FFE];
	_ =	sdelay $0x1  }
0x8a: {  	s1 =	srdreg.scid  }
0x8b: {  	s0 =	sand.u32 $0x1, s1  }
0x8c: {  	s14 =	sshll.u32 s0, $0xA;
	s2 =	sadd.s32 s3, s2  }
0x8d: {  	s2 =	sadd.s32 s2, s14  }
0x8e: {  	[smem:$0x3FC2] =	sst s2  }
0x8f: {  	_ = 	snop  }
0x90: {  	s2 =	sld [smem:$0x3FD0];
	_ =	sdelay $0x2  }
0x91: {  	s15 =	simm.s32 $0xA;
	s4 =	simm.s32 $0x10  }
0x92: {  	[smem:s4], [sflag:s15] =	dma.local [hbm:s2], $0x1  }
0x93: {  	_ =	swait.eq [sflag:s15], $0x1  }
0x94: {  	[sflag:s15] =	ssyncset.done $0x0  }
0x95: {  	s16 =	sld [smem:$0x10];
	[sflag:s15] =	ssyncadd.s32 $0xFFFFFFFF  }
0x96: {  	s17 =	sld [smem:$0x11];
	(tm) =	ssettm $0x1  }
0x97: {  	s18 =	sld [smem:$0x3FFB];
	_ =	sdelay $0x3  }
0x98: {  	_ =	strace s18  }
0x99: {  	s4 =	sld [smem:$0x3FFC];
	_ =	sdelay $0x3  }
0x9a: {  	_ =	strace s4  }
0x9b: {  	s4 =	sld [smem:$0x3FFD];
	_ =	sdelay $0x3  }
0x9c: {  	_ =	strace s4  }
0x9d: {  	_ =	strace $0x8FFFFFFF  }
0x9e: {  	s19 =	sld [smem:$0x3FDB];
	_ =	sdelay $0x1  }
0x9f: {  	s5 =	simm.s32 $_scs_section_size  }
0xa0: {  	s6 =	simm.s32 $_size__tile_overlayer_lowered;
	s7 =	simm.s32 $_tile_overlayer_lowered  }
0xa1: {  	s22 =	simm.s32 $0x1BFF;
	s21 =	sshll.u32 s7, $0x1;
	s4 =	sadd.s32 s5, s19  }
0xa2: {  	s8 =	simm.s32 $0x0;
	s20 =	sshll.u32 s6, $0x1;
	s6 =	sadd.s32 s21, s4  }
0xa3: {  	[timem:s8], [sflag:s22] =	dma.local [hbm:s6], s20  }
0xa4: {  	_ =	swait.ge [sflag:s22], s20  }
0xa5: {  	s5 =	ssub.s32 $0x0, s20;
	[sflag:s22] =	ssyncset.done $0x0  }
0xa6: {  	[sflag:s22] =	ssyncadd.s32 s5;
	_ =	sdelay $0x1  }
0xa7: {  	s23 =	simm.s32 $0x1B8B  }
0xa8: {  	_ =	swait.ge [sflag:s23], $0x1  }
0xa9: {  	[sflag:s23] =	ssyncset.done $0x0  }
0xaa: {  	s25 =	simm.s32 $0x1B8E;
	s24 =	sld [smem:$0x3FFE];
	[sflag:s23] =	ssyncadd.s32 $0xFFFFFFFF  }
0xab: {  	s26 =	simm.s32 $execute0_lowered;
	[smem:$0x3FD2] =	sst s25  }
0xac: {  	s6 =	sshll.u32 s26, $0x1;
	_ =	strace $0x80000046;
	[dreg:$0x1] =	wrdreg $0xFFFFFFFF  }
0xad: {  	s28 =	simm.s32 $_size_execute0_lowered;
	s4 =	sadd.s32 s4, s6;
	[dreg:$0x0] =	wrdreg $0x0  }
0xae: {  	s6 =	sshll.u32 s28, $0x1;
	[dreg:$0x2] =	wrdreg s4  }
0xaf: {  	[dreg:$0x3] =	wrdreg s6  }
0xb0: {  	[dreg:$0x4] =	wrdreg $0xC0  }
0xb1: {  	_ =	task [dreg:s8], $0x5FFFF  }
0xb2: {  	[dreg:$0x1] =	wrdreg $0xFFFFFFFF  }
0xb3: {  	[dreg:$0x0] =	wrdreg $0x60  }
0xb4: {  	[dreg:$0x2] =	wrdreg s24  }
0xb5: {  	[dreg:$0x3] =	wrdreg s17  }
0xb6: {  	[dreg:$0x4] =	wrdreg s16  }
0xb7: {  	[dreg:$0x5] =	wrdreg $0x9  }
0xb8: {  	_ =	task.clear_ibuf [dreg:s8], $0x6FFFF;
	_ =	strace $0x90000046  }
0xb9: {  	s29 =	simm.s32 $0x9;
	_ =	strace $0x80000048  }
0xba: {  	_ =	swait.ge [sflag:s29], $0x1  }
0xbb: {  	[sflag:s29] =	ssyncadd.s32 $0xFFFFFFFF  }
0xbc: {  	_ =	strace $0x90000048  }
0xbd: {  	_ =	sfence  }
0xbe: {  	s30 =	sld [smem:$0x0];
	_ =	sdelay $0x2  }
0xbf: {  	s31 =	sshll.u32 s1, $0xD;
	s1 =	sshrl.u32 s1, $0x2  }
0xc0: {  	s3 =	sand.u32 $0x4000, s31;
	s1 =	sadd.s32 s1, s30  }
0xc1: {  	s0 =	sor.u32 s3, s0;
	s1 =	sshll.u32 s1, $0x11  }
0xc2: {  	s0 =	sor.u32 s1, s0  }
0xc3: {  	s0 =	sadd.s32 $0x8F2B, s0  }
0xc4: {  	[sflag:s0] =	ssyncadd.remote.s32 $0x1  }
0xc5: {  	_ =	sfence.sel $0xFFFF  }
0xc6: {  	[dreg:$0x0] =	wrdreg $0xFFFFFFFF;
	(pc) =	sbr.abs _section_cstart, $3  }
0xc7: {  	[dreg:$0x1] =	wrdreg $0xFFFFFFFF  }
0xc8: {  	_ =	task.clear_ibuf [dreg:s8], $0x2FFFF;
	_ =	strace $0x9FFFFFFF  }
0xc9: {  	(tm) =	ssettm $0x7FFFFFFF  }
tec
execute0_lowered:
.L_overlay_start_1:
0x0: {  	(tag) =	ssettag $0x1  }
0x1: {  	s0 =	rddreg [dreg:$0x0]  }
0x2: {  	s4 =	rddreg [dreg:$0x1]  }
0x3: {  	s5 =	rddreg [dreg:$0x2];
	s2 =	simm.s32 $0x0  }
0x4: {  	s3 =	srdreg.scid;
	s1 =	stileid.u32;
	s25 =	simm.s32 $0x880  }
0x5: {  	s26 =	simm.s32 $0x1080;
	s10 =	simm.s32 $0x2080;
	s11 =	simm.s32 $0x2880  }
0x6: {  	s12 =	simm.s32 $0x3080;
	s13 =	simm.s32 $0x3880;
	s14 =	simm.s32 $0x4080  }
0x7: {  	s15 =	simm.s32 $0x4880;
	s16 =	simm.s32 $0x5080;
	s17 =	simm.s32 $0x5880  }
0x8: {  	s18 =	simm.s32 $0x6080;
	s19 =	simm.s32 $0x6880;
	s20 =	simm.s32 $0x7080  }
0x9: {  	s21 =	simm.s32 $0x7880;
	s22 =	simm.s32 $0x8080;
	s23 =	simm.s32 $0x8880  }
0xa: {  	s24 =	simm.s32 $0x9080;
	s28 =	simm.s32 $0xA880;
	s29 =	simm.s32 $0xB080  }
0xb: {  	s30 =	simm.s32 $0xB880;
	s31 =	simm.s32 $0x1;
	[smem:$0x7FF] =	sst s2  }
0xc: {  	s3 =	sand.u32 $0x1, s3;
	s6 =	sshll.u32 s1, $0x1;
	_ =	strace $0x80000047  }
0xd: {  	s6 =	sor.u32 s3, s6;
	s7 =	ssub.s32 $0x2, s3;
	[dreg:$0x6] =	wrdreg s25  }
0xe: {  	s3 =	sadd.s32 $0x1400, s0;
	[dreg:$0x7] =	wrdreg s26;
	s25 =	simm.s32 $0x9880  }
0xf: {  	s8 =	sshll.u32 s6, $0x4;
	s6 =	smul.u32 $0x1800, s6;
	s9 =	sshrl.u32 s7, $0x1  }
0x10: {  	s26 =	simm.s32 $0xA080;
	s4 =	sadd.s32 s4, s8;
	s7 =	ssub.s32 s7, s9  }
0x11: {  	v2 =	vlaneseq.u32;
	s8 =	simm.s32 $0x80;
	[dreg:$0x4] =	wrdreg s4;
	s6 =	sadd.s32 s5, s6  }
0x12: {  	vm0 =	vmmov $0xffff;
	v1 =	vshrl.u32 v2, $0x3;
	s4 =	sadd.s32 $0x1500, s0;
	s5 =	sadd.s32 $0x1600, s0;
	s0 =	simm.s32 $0x2  }
0x13: {  	v0 =	vand.u32 $0x7, v2;
	v2 =	vor.u32 $0x8, v2;
	v1 =	vmul.u32 $0x8, v1;
	[dreg:$0x5] =	wrdreg s6;
	s6 =	smax.u32 s7, $0x1;
	s7 =	simm.s32 $0x3  }
.LBB2_1:
0x14: {  	s1 =	rddreg [dreg:$0x4]  }
0x15: {  	[tilespmem:s2], [sflag:$0x3] =	stream.linear.gather [hbm4b:s1+s2], $0x80, $0x38;
	[tilespmem:$0xC080] =	vst v63  }
0x16: {  	_ =	swait.ge [sflag:s7], $0x80  }
0x17: {  	[sflag:s7] =	ssyncset.done $0x0  }
0x18: {  	[sflag:s7] =	ssyncadd.s32 $0xFFFFFF80  }
0x19: {  	v3 =	vld [tilespmem:$0x0];
	_ =	sdelay $0x4  }
0x1a: {  	v4 =	vshrl.u32 v3, $0x3  }
0x1b: {  	v4 =	vmul.u32 $0x30, v4  }
0x1c: {  	v3 =	vand.u32 $0x7, v3  }
0x1d: {  	v3 =	vor.u32 v3, v4  }
0x1e: {  	v4 =	vperm.xlane v3, v0;
	_ =	sdelay $0x1  }
0x1f: {  	v4 =	vadd.s32 v1, v4;
	_ =	sdelay $0x3  }
0x20: {  	v3 =	vperm.xlane v3, v2  }
0x21: {  	[tilespmem:s8], [sflag:$0x1] =	stream.indirect_vreg.gather [hbm4b:s3+s2], $0x80, v4, vm0, $0xb8;
	[tilespmem:$0xC080] =	vst v63  }
0x22: {  	s1 =	rddreg [dreg:$0x6];
	v3 =	vadd.s32 v1, v3  }
0x23: {  	[tilespmem:s1], [sflag:$0x1] =	stream.indirect_vreg.gather [hbm4b:s4+s2], $0x80, v4, vm0, $0xb8;
	[tilespmem:$0xC080] =	vst v63  }
0x24: {  	s9 =	rddreg [dreg:$0x7]  }
0x25: {  	[tilespmem:s9], [sflag:$0x1] =	stream.indirect_vreg.gather [hbm4b:s5+s2], $0x80, v4, vm0, $0xb8;
	[tilespmem:$0xC080] =	vst v63  }
0x26: {  	s9 =	simm.s32 $0x1880  }
0x27: {  	[tilespmem:s9], [sflag:$0x1] =	stream.indirect_vreg.gather [hbm4b:s3+s2], $0x80, v3, vm0, $0xb8;
	[tilespmem:$0xC080] =	vst v63  }
0x28: {  	_ = 	snop  }
0x29: {  	[tilespmem:s10], [sflag:$0x1] =	stream.indirect_vreg.gather [hbm4b:s4+s2], $0x80, v3, vm0, $0xb8;
	[tilespmem:$0xC080] =	vst v63  }
0x2a: {  	_ = 	snop  }
0x2b: {  	[tilespmem:s11], [sflag:$0x1] =	stream.indirect_vreg.gather [hbm4b:s5+s2], $0x80, v3, vm0, $0xb8;
	[tilespmem:$0xC080] =	vst v63  }
0x2c: {  	v3 =	vld [tilespmem:$0x10];
	_ =	sdelay $0x4  }
0x2d: {  	v61 =	vshrl.u32 v3, $0x3  }
0x2e: {  	v4 =	vmul.u32 $0x30, v61  }
0x2f: {  	v3 =	vand.u32 $0x7, v3  }
0x30: {  	v3 =	vor.u32 v3, v4  }
0x31: {  	v4 =	vperm.xlane v3, v0;
	_ =	sdelay $0x1  }
0x32: {  	v4 =	vadd.s32 v1, v4;
	_ =	sdelay $0x3  }
0x33: {  	v3 =	vperm.xlane v3, v2  }
0x34: {  	[tilespmem:s12], [sflag:$0x1] =	stream.indirect_vreg.gather [hbm4b:s3+s2], $0x80, v4, vm0, $0xb8;
	[tilespmem:$0xC080] =	vst v63  }
0x35: {  	v3 =	vadd.s32 v1, v3  }
0x36: {  	[tilespmem:s13], [sflag:$0x1] =	stream.indirect_vreg.gather [hbm4b:s4+s2], $0x80, v4, vm0, $0xb8;
	[tilespmem:$0xC080] =	vst v63  }
0x37: {  	_ = 	snop  }
0x38: {  	[tilespmem:s14], [sflag:$0x1] =	stream.indirect_vreg.gather [hbm4b:s5+s2], $0x80, v4, vm0, $0xb8;
	[tilespmem:$0xC080] =	vst v63  }
0x39: {  	_ = 	snop  }
0x3a: {  	[tilespmem:s15], [sflag:$0x1] =	stream.indirect_vreg.gather [hbm4b:s3+s2], $0x80, v3, vm0, $0xb8;
	[tilespmem:$0xC080] =	vst v63  }
0x3b: {  	_ = 	snop  }
0x3c: {  	[tilespmem:s16], [sflag:$0x1] =	stream.indirect_vreg.gather [hbm4b:s4+s2], $0x80, v3, vm0, $0xb8;
	[tilespmem:$0xC080] =	vst v63  }
0x3d: {  	_ = 	snop  }
0x3e: {  	[tilespmem:s17], [sflag:$0x1] =	stream.indirect_vreg.gather [hbm4b:s5+s2], $0x80, v3, vm0, $0xb8;
	[tilespmem:$0xC080] =	vst v63  }
0x3f: {  	v3 =	vld [tilespmem:$0x20];
	_ =	sdelay $0x4  }
0x40: {  	v62 =	vshrl.u32 v3, $0x3  }
0x41: {  	v4 =	vmul.u32 $0x30, v62  }
0x42: {  	v3 =	vand.u32 $0x7, v3  }
0x43: {  	v3 =	vor.u32 v3, v4  }
0x44: {  	v4 =	vperm.xlane v3, v0;
	_ =	sdelay $0x1  }
0x45: {  	v4 =	vadd.s32 v1, v4;
	_ =	sdelay $0x3  }
0x46: {  	v3 =	vperm.xlane v3, v2  }
0x47: {  	[tilespmem:s18], [sflag:$0x1] =	stream.indirect_vreg.gather [hbm4b:s3+s2], $0x80, v4, vm0, $0xb8;
	[tilespmem:$0xC080] =	vst v63  }
0x48: {  	v3 =	vadd.s32 v1, v3  }
0x49: {  	[tilespmem:s19], [sflag:$0x1] =	stream.indirect_vreg.gather [hbm4b:s4+s2], $0x80, v4, vm0, $0xb8;
	[tilespmem:$0xC080] =	vst v63  }
0x4a: {  	_ = 	snop  }
0x4b: {  	[tilespmem:s20], [sflag:$0x1] =	stream.indirect_vreg.gather [hbm4b:s5+s2], $0x80, v4, vm0, $0xb8;
	[tilespmem:$0xC080] =	vst v63  }
0x4c: {  	_ = 	snop  }
0x4d: {  	[tilespmem:s21], [sflag:$0x1] =	stream.indirect_vreg.gather [hbm4b:s3+s2], $0x80, v3, vm0, $0xb8;
	[tilespmem:$0xC080] =	vst v63  }
0x4e: {  	_ = 	snop  }
0x4f: {  	[tilespmem:s22], [sflag:$0x1] =	stream.indirect_vreg.gather [hbm4b:s4+s2], $0x80, v3, vm0, $0xb8;
	[tilespmem:$0xC080] =	vst v63  }
0x50: {  	_ = 	snop  }
0x51: {  	[tilespmem:s23], [sflag:$0x1] =	stream.indirect_vreg.gather [hbm4b:s5+s2], $0x80, v3, vm0, $0xb8;
	[tilespmem:$0xC080] =	vst v63  }
0x52: {  	v3 =	vld [tilespmem:$0x30];
	_ =	sdelay $0x4  }
0x53: {  	v63 =	vshrl.u32 v3, $0x3  }
0x54: {  	v4 =	vmul.u32 $0x30, v63  }
0x55: {  	v3 =	vand.u32 $0x7, v3  }
0x56: {  	v3 =	vor.u32 v3, v4  }
0x57: {  	v4 =	vperm.xlane v3, v0;
	_ =	sdelay $0x1  }
0x58: {  	v4 =	vadd.s32 v1, v4;
	_ =	sdelay $0x3  }
0x59: {  	v3 =	vperm.xlane v3, v2  }
0x5a: {  	[tilespmem:s24], [sflag:$0x1] =	stream.indirect_vreg.gather [hbm4b:s3+s2], $0x80, v4, vm0, $0xb8;
	[tilespmem:$0xC080] =	vst v63  }
0x5b: {  	v3 =	vadd.s32 v1, v3  }
0x5c: {  	[tilespmem:s25], [sflag:$0x1] =	stream.indirect_vreg.gather [hbm4b:s4+s2], $0x80, v4, vm0, $0xb8;
	[tilespmem:$0xC080] =	vst v63  }
0x5d: {  	_ = 	snop  }
0x5e: {  	[tilespmem:s26], [sflag:$0x1] =	stream.indirect_vreg.gather [hbm4b:s5+s2], $0x80, v4, vm0, $0xb8;
	[tilespmem:$0xC080] =	vst v63  }
0x5f: {  	_ = 	snop  }
0x60: {  	[tilespmem:s28], [sflag:$0x1] =	stream.indirect_vreg.gather [hbm4b:s3+s2], $0x80, v3, vm0, $0xb8;
	[tilespmem:$0xC080] =	vst v63  }
0x61: {  	_ = 	snop  }
0x62: {  	[tilespmem:s29], [sflag:$0x1] =	stream.indirect_vreg.gather [hbm4b:s4+s2], $0x80, v3, vm0, $0xb8;
	[tilespmem:$0xC080] =	vst v63  }
0x63: {  	_ = 	snop  }
0x64: {  	[tilespmem:s30], [sflag:$0x1] =	stream.indirect_vreg.gather [hbm4b:s5+s2], $0x80, v3, vm0, $0xb8;
	[tilespmem:$0xC080] =	vst v63  }
0x65: {  	_ =	swait.ge [sflag:s31], $0xC000  }
0x66: {  	p0 =	sne.s32 s6, $0x1;
	[sflag:s31] =	ssyncset.done $0x0  }
.Ltmp0:
0x67: {  	s9 =	rddreg [dreg:$0x5];
	[sflag:s31] =	ssyncadd.s32 $0xFFFF4000;
	(pc) =	sbr.rel @p0 .LBB2_1-.Ltmp0, $4  }
0x68: {  	[hbm4b:s9+s2] =	stream.linear.scatter [tilespmem:s8], [sflag:$0x2], $0xC000, $0x38;
	[tilespmem:$0xC080] =	vst v63  }
0x69: {  	_ =	swait.ge [sflag:s0], $0xC000  }
0x6a: {  	[sflag:s0] =	ssyncset.done $0x0  }
0x6b: {  	s6 =	sadd.s32 $0xFFFFFFFF, s6;
	[sflag:s0] =	ssyncadd.s32 $0xFFFF4000  }
0x6c: {  	_ =	sfence.sel $0x180000  }
0x6d: {  	[bflag:$0x0] =	sbarrier.arrive $0xFFFF  }
0x6e: {  	_ =	strace $0x90000047  }
0x6f: {  	s0 =	stileid.u32;
	[bflag:$0x2] =	sbarrier.arrive $0xFFFF  }
0x70: {  	p0 =	sne.s32 s0, $0x0;
	s0 =	rddreg [dreg:$0x3]  }
0x71: {  	s0 =	sadd.s32 @!p0 $0x100000, s0  }
0x72: {  	[sflag:s0] =	ssyncadd.tile.s32 @!p0 $0x1;
	_ =	shalt  }
.Lfunc_end2:
_tile_overlayer_lowered:
.L_overlay_start_2:
0x73: {  	(tag) =	ssettag $0x2  }
0x74: {  	s0 =	rddreg [dreg:$0x0];
	s2 =	stileid.u32  }
0x75: {  	s1 =	rddreg [dreg:$0x1];
	p0 =	sne.s32 s2, $0x0  }
0x76: {  	s3 =	rddreg [dreg:$0x2];
	[bflag:$0x3] =	sbarrier.arrive $0xFFFF;
	s2 =	simm.s32 @!p0 $0x1C03  }
0x77: {  	[timem:s3], [sflag:s2] =	dma.local @!p0 [hbm:s0], s1  }
0x78: {  	s0 =	simm.s32 @!p0 $0x3  }
0x79: {  	_ =	swait.ge @!p0 [sflag:s0], s1  }
0x7a: {  	s1 =	ssub.s32 @!p0 $0x0, s1;
	[sflag:s0] =	ssyncset.done @!p0 $0x0  }
0x7b: {  	[sflag:s0] =	ssyncadd.s32 @!p0 s1  }
0x7c: {  	[bflag:$0x3] =	sbarrier.arrive $0xFFFF  }
0x7d: {  	_ =	shalt  }

</sc_bundles>
